<compile_context>
chip_gen: v7x
topology: tpu7x:2x2x1
jax: 0.10.2.dev20260603
libtpu: 0.0.44.dev20260713+nightly
codegen_flags: <defaults>
</compile_context>

<pallas_src>
import functools

import jax
import jax.numpy as jnp
from jax import lax
from jax.experimental import pallas as pl
from jax.experimental.pallas import tpu as pltpu
from jax.experimental.pallas import tpu_sc as plsc

VOCAB = 1000000
NUM_CORES = 2
NUM_SUBCORES = 16
NUM_WORKERS = NUM_CORES * NUM_SUBCORES
LANES = 16
CHUNK = 128


def _stay_body(th_ref, tn_ref, dh_ref, dn_ref, out_ref):
    cond = dh_ref[...] != dn_ref[...]
    out_ref[...] = jnp.where(cond, 48, 0) + tn_ref[...] - th_ref[...]


def _stay_time(ts_his, ts_next, day_his, day_next):
    n_rows, n_cols = ts_his.shape
    block = 512
    grid = n_rows // block
    spec = pl.BlockSpec((block, n_cols), lambda i: (i, 0))
    return pl.pallas_call(
        _stay_body,
        grid=(grid,),
        in_specs=[spec, spec, spec, spec],
        out_specs=spec,
        out_shape=jax.ShapeDtypeStruct((n_rows, n_cols), jnp.int32),
    )(ts_his, ts_next, day_his, day_next)


def _make_gather(n_idx, embed_dim):
    per_w = n_idx // NUM_WORKERS
    n_chunks = per_w // CHUNK

    @functools.partial(
        pl.kernel,
        out_type=jax.ShapeDtypeStruct((n_idx, embed_dim), jnp.float32),
        mesh=plsc.VectorSubcoreMesh(
            core_axis_name="c",
            subcore_axis_name="s",
            num_cores=NUM_CORES,
            num_subcores=NUM_SUBCORES,
        ),
        scratch_types=[
            pltpu.VMEM((per_w,), jnp.int32),
            pltpu.VMEM((per_w,), jnp.int32),
            pltpu.VMEM((CHUNK, 128), jnp.float32),
            pltpu.VMEM((CHUNK, 128), jnp.float32),
            pltpu.VMEM((CHUNK, 64), jnp.float32),
            pltpu.VMEM((CHUNK, 64), jnp.float32),
            pltpu.SemaphoreType.DMA,
            pltpu.SemaphoreType.DMA,
            pltpu.SemaphoreType.DMA,
            pltpu.SemaphoreType.DMA,
        ],
    )
    def gather_kernel(tab_hbm, x_hbm, city_hbm, out_hbm, idx_v, city_v,
                      rows0, rows1, cmp0, cmp1, gsem0, gsem1, ssem0, ssem1):
        wid = lax.axis_index("c") * NUM_SUBCORES + lax.axis_index("s")
        wbase = wid * per_w
        pltpu.sync_copy(x_hbm.at[pl.ds(wbase, per_w)], idx_v)
        pltpu.sync_copy(city_hbm.at[pl.ds(wbase, per_w)], city_v)

        def idx_body(j, carry):
            o = j * LANES
            s = idx_v[pl.ds(o, LANES)] + city_v[pl.ds(o, LANES)]
            idx_v[pl.ds(o, LANES)] = jnp.where(s >= VOCAB, s - VOCAB, s)
            return carry

        lax.fori_loop(0, per_w // LANES, idx_body, 0)

        def start_gather(ci, rows, gsem):
            return pltpu.async_copy(
                tab_hbm.at[idx_v.at[pl.ds(ci * CHUNK, CHUNK)]], rows, gsem
            )

        def compact(rows, cmp):
            def row_body(r, carry2):
                for j in range(64 // LANES):
                    cmp[r, pl.ds(j * LANES, LANES)] = (
                        rows[r, pl.ds(j * LANES, LANES)]
                    )
                return carry2

            lax.fori_loop(0, CHUNK, row_body, 0)

        def start_out(ci, cmp, ssem):
            return pltpu.async_copy(
                cmp, out_hbm.at[pl.ds(wbase + ci * CHUNK, CHUNK)], ssem
            )

        start_gather(0, rows0, gsem0)

        def pair_body(k, carry):
            c0 = 2 * k
            start_gather(c0 + 1, rows1, gsem1)
            pltpu.make_async_copy(tab_hbm.at[idx_v.at[pl.ds(0, CHUNK)]],
                                  rows0, gsem0).wait()

            @pl.when(k > 0)
            def _():
                pltpu.make_async_copy(
                    cmp0, out_hbm.at[pl.ds(wbase, CHUNK)], ssem0
                ).wait()

            compact(rows0, cmp0)
            start_out(c0, cmp0, ssem0)

            @pl.when(c0 + 2 < n_chunks)
            def _():
                start_gather(c0 + 2, rows0, gsem0)

            pltpu.make_async_copy(tab_hbm.at[idx_v.at[pl.ds(0, CHUNK)]],
                                  rows1, gsem1).wait()

            @pl.when(k > 0)
            def _():
                pltpu.make_async_copy(
                    cmp1, out_hbm.at[pl.ds(wbase, CHUNK)], ssem1
                ).wait()

            compact(rows1, cmp1)
            start_out(c0 + 1, cmp1, ssem1)
            return carry

        lax.fori_loop(0, n_chunks // 2, pair_body, 0)
        pltpu.make_async_copy(cmp0, out_hbm.at[pl.ds(wbase, CHUNK)],
                              ssem0).wait()
        pltpu.make_async_copy(cmp1, out_hbm.at[pl.ds(wbase, CHUNK)],
                              ssem1).wait()

    return gather_kernel


def kernel(traj, vocab_tot):
    batch, hist_p1, _ = traj.shape
    his_len = hist_p1 - 1
    t = traj.astype(jnp.int32)
    x_test = t[:, :-1, 0]
    y_test = t[:, 1:, 0]
    ts_his = t[:, :-1, 1]
    ts_next = t[:, 1:, 1]
    day_his = t[:, :-1, 2]
    day_next = t[:, 1:, 2]
    test_city = t[:, :-1, 3]

    stay_time = _stay_time(ts_his, ts_next, day_his, day_next)

    n_idx = batch * his_len
    vocab_rows, embed_dim = vocab_tot.shape
    tabpad = jnp.pad(vocab_tot, ((0, 0), (0, 128 - embed_dim)))

    gather = _make_gather(n_idx, embed_dim)
    poi = gather(tabpad, x_test.reshape(n_idx), test_city.reshape(n_idx))
    return poi.reshape(batch, his_len, embed_dim), stay_time, y_test

# --- scband reference (transcript-rebuilt; emitter-appended) ---
"""Pipeline reference for scband-clipvision-tower-1975684956742 (READ-ONLY COPY).

The authoritative reference and input builder live on the scoring server;
editing this copy changes nothing except your own understanding.
"""

import jax, jax.numpy as jnp
import numpy as np

VOCAB = 1000000
EMBED_DIM = 64
BATCH = 4096
HIST_PLUS_ONE = 201

def setup_inputs(seed: int = 0) -> dict:
    key = jax.random.key(seed)
    k1, k2 = jax.random.split(key)
    # traj[:, :, 0] -> location ids, [:, :, 1] -> timestamp slot, [:, :, 2] -> day, [:, :, 3] -> city offset
    traj = jax.random.randint(k1, (BATCH, HIST_PLUS_ONE, 4), 0, 500000, dtype=jnp.int64)
    # learned embedding table (global `vocab_tot` in the original module)
    vocab_tot = jax.random.normal(k2, (VOCAB, EMBED_DIM), dtype=jnp.float32) * 0.02
    return {"traj": traj, "vocab_tot": vocab_tot}

def reference(traj, vocab_tot):
    his_len = traj.shape[1] - 1
    x_test = traj[:, :-1, 0].astype(jnp.int32).reshape(-1, his_len)
    y_test = traj[:, 1:, 0].astype(jnp.int32).reshape(-1, his_len)
    ts_his = traj[:, :-1, 1].astype(jnp.int32).reshape(-1, his_len)
    ts_next = traj[:, 1:, 1].astype(jnp.int32).reshape(-1, his_len)
    day_his = traj[:, :-1, 2].astype(jnp.int32).reshape(-1, his_len)
    day_next = traj[:, 1:, 2].astype(jnp.int32).reshape(-1, his_len)
    test_city = traj[:, :-1, 3].astype(jnp.int32).reshape(-1, his_len)
    condition = ~(day_his == day_next)
    zero_matrix = day_his * 0
    result_weekday = jnp.where(condition, 48, zero_matrix)
    stay_time = result_weekday + ts_next - ts_his
    # core memory-bound embedding gather: poi = vocab_tot[x_test + test_city]
    idx = (x_test + test_city) % VOCAB
    poi = jnp.take(vocab_tot, idx, axis=0)
    return poi, stay_time, y_test

if __name__ == "__main__":
    import jax
    _d = setup_inputs()
    print(jax.jit(kernel)(*tuple(_d.values())))

</pallas_src>

<mosaic_0001>
#map = affine_map<(d0, d1) -> (0, 0)>
#map1 = affine_map<(d0, d1) -> (0)>
module attributes {stable_mosaic.version = 14 : i64} {
  func.func @gather_kernel(%arg0: i32, %arg1: i32, %arg2: memref<1000000x128xf32, #tpu.memory_space<hbm>>, %arg3: memref<819200xi32, #tpu.memory_space<hbm>>, %arg4: memref<819200xi32, #tpu.memory_space<hbm>>, %arg5: memref<819200x64xf32, #tpu.memory_space<hbm>>, %arg6: memref<25600xi32, #tpu.memory_space<vmem>>, %arg7: memref<25600xi32, #tpu.memory_space<vmem>>, %arg8: memref<128x128xf32, #tpu.memory_space<vmem>>, %arg9: memref<128x128xf32, #tpu.memory_space<vmem>>, %arg10: memref<128x64xf32, #tpu.memory_space<vmem>>, %arg11: memref<128x64xf32, #tpu.memory_space<vmem>>, %arg12: memref<!tpu.dma_semaphore, #tpu.memory_space<semaphore_mem>>, %arg13: memref<!tpu.dma_semaphore, #tpu.memory_space<semaphore_mem>>, %arg14: memref<!tpu.dma_semaphore, #tpu.memory_space<semaphore_mem>>, %arg15: memref<!tpu.dma_semaphore, #tpu.memory_space<semaphore_mem>>) attributes {dimension_semantics = [#tpu.dimension_semantics<core_parallel>, #tpu.dimension_semantics<subcore_parallel>], iteration_bounds = array<i64: 2, 16>, scalar_prefetch = 0 : i64, scratch_operands = 10 : i64, tpu.core_type = #tpu.core_type<sc_vector_subcore>, window_params = [{transform_indices = #map}, {transform_indices = #map1}, {transform_indices = #map1}, {transform_indices = #map}]} {
    %mul3A = arith.constant 16 : i32
    %mul3A_0 = arith.muli %arg0, %mul3A : i32
    %add3A = arith.addi %mul3A_0, %arg1 : i32
    %mul3A_1 = arith.constant 25600 : i32
    %mul3A_2 = arith.muli %add3A, %mul3A_1 : i32
    "tpu.region"() ({
      %run_scoped3A = tpu.sem_alloc : memref<!tpu.dma_semaphore, #tpu.memory_space<semaphore_mem>>
      %dma_start3A_25 = tpu.memref_slice %arg3[%mul3A_2] : memref<819200xi32, #tpu.memory_space<hbm>> -> memref<25600xi32, #tpu.memory_space<hbm>>
      %dma_start3A_26 = tpu.memref_slice %arg3[%mul3A_2] : memref<819200xi32, #tpu.memory_space<hbm>> -> memref<25600xi32, #tpu.memory_space<hbm>>
      tpu.enqueue_dma source(%dma_start3A_26 : memref<25600xi32, #tpu.memory_space<hbm>>) target(%arg6 : memref<25600xi32, #tpu.memory_space<vmem>>) target_semaphore(%run_scoped3A : memref<!tpu.dma_semaphore, #tpu.memory_space<semaphore_mem>>)
      %dma_wait3A_27 = tpu.memref_slice %arg3[%mul3A_2] : memref<819200xi32, #tpu.memory_space<hbm>> -> memref<25600xi32, #tpu.memory_space<hbm>>
      %dma_wait3A_28 = tpu.memref_slice %arg3[%mul3A_2] : memref<819200xi32, #tpu.memory_space<hbm>> -> memref<25600xi32, #tpu.memory_space<hbm>>
      tpu.wait_dma2 semaphore(%run_scoped3A : memref<!tpu.dma_semaphore, #tpu.memory_space<semaphore_mem>>) src(%dma_wait3A_28 : memref<25600xi32, #tpu.memory_space<hbm>>) dst(%arg6 : memref<25600xi32, #tpu.memory_space<vmem>>)
      tpu.yield
    }) : () -> ()
    "tpu.region"() ({
      %run_scoped3A = tpu.sem_alloc : memref<!tpu.dma_semaphore, #tpu.memory_space<semaphore_mem>>
      %dma_start3A_25 = tpu.memref_slice %arg4[%mul3A_2] : memref<819200xi32, #tpu.memory_space<hbm>> -> memref<25600xi32, #tpu.memory_space<hbm>>
      %dma_start3A_26 = tpu.memref_slice %arg4[%mul3A_2] : memref<819200xi32, #tpu.memory_space<hbm>> -> memref<25600xi32, #tpu.memory_space<hbm>>
      tpu.enqueue_dma source(%dma_start3A_26 : memref<25600xi32, #tpu.memory_space<hbm>>) target(%arg7 : memref<25600xi32, #tpu.memory_space<vmem>>) target_semaphore(%run_scoped3A : memref<!tpu.dma_semaphore, #tpu.memory_space<semaphore_mem>>)
      %dma_wait3A_27 = tpu.memref_slice %arg4[%mul3A_2] : memref<819200xi32, #tpu.memory_space<hbm>> -> memref<25600xi32, #tpu.memory_space<hbm>>
      %dma_wait3A_28 = tpu.memref_slice %arg4[%mul3A_2] : memref<819200xi32, #tpu.memory_space<hbm>> -> memref<25600xi32, #tpu.memory_space<hbm>>
      tpu.wait_dma2 semaphore(%run_scoped3A : memref<!tpu.dma_semaphore, #tpu.memory_space<semaphore_mem>>) src(%dma_wait3A_28 : memref<25600xi32, #tpu.memory_space<hbm>>) dst(%arg7 : memref<25600xi32, #tpu.memory_space<vmem>>)
      tpu.yield
    }) : () -> ()
    %scan3A = arith.constant 0 : i32
    %scan3A_3 = arith.constant 0 : i32
    %scan3A_4 = arith.constant 1600 : i32
    %scan3A_5 = arith.addi %scan3A_3, %scan3A_4 : i32
    %scan3A_6 = arith.constant 1 : i32
    scf.for %scan3A_25 = %scan3A_3 to %scan3A_5 step %scan3A_6  : i32 {
      %mul3A_26 = arith.constant 16 : i32
      %mul3A_27 = arith.muli %scan3A_25, %mul3A_26 : i32
      %get3A = arith.index_cast %mul3A_27 : i32 to index
      %get3A_28 = tpu.vector_load %arg6[%get3A] {strides = array<i32>} : memref<25600xi32, #tpu.memory_space<vmem>>, vector<16xi32>,
      %get3A_29 = vector.shape_cast %get3A_28 : vector<16xi32> to vector<16xi32>
      %get3A_30 = arith.index_cast %mul3A_27 : i32 to index
      %get3A_31 = tpu.vector_load %arg7[%get3A_30] {strides = array<i32>} : memref<25600xi32, #tpu.memory_space<vmem>>, vector<16xi32>,
      %get3A_32 = vector.shape_cast %get3A_31 : vector<16xi32> to vector<16xi32>
      %add3A_33 = arith.addi %get3A_29, %get3A_32 : vector<16xi32>
      %ge3A = arith.constant 1000000 : i32
      %ge3A_34 = vector.broadcast %ge3A : i32 to vector<16xi32>
      %ge3A_35 = arith.cmpi sge, %add3A_33, %ge3A_34 : vector<16xi32>
      %sub3A = arith.constant 1000000 : i32
      %sub3A_36 = vector.broadcast %sub3A : i32 to vector<16xi32>
      %sub3A_37 = arith.subi %add3A_33, %sub3A_36 : vector<16xi32>
      %select_n3A = arith.select %ge3A_35, %sub3A_37, %add3A_33 : vector<16xi1>, vector<16xi32>
      %swap3A = arith.index_cast %mul3A_27 : i32 to index
      %swap3A_38 = tpu.vector_load %arg6[%swap3A] {strides = array<i32>} : memref<25600xi32, #tpu.memory_space<vmem>>, vector<16xi32>,
      %swap3A_39 = vector.shape_cast %swap3A_38 : vector<16xi32> to vector<16xi32>
      %swap3A_40 = vector.shape_cast %select_n3A : vector<16xi32> to vector<16xi32>
      tpu.vector_store %arg6[%swap3A], %swap3A_40 {strides = array<i32>} : memref<25600xi32, #tpu.memory_space<vmem>>, vector<16xi32>,
    }
    %scan3A_7 = arith.constant 1600 : i32
    %dma_start3A = arith.constant 0 : i32
    %dma_start3A_8 = tpu.memref_slice %arg6[%dma_start3A] : memref<25600xi32, #tpu.memory_space<vmem>> -> memref<128xi32, #tpu.memory_space<vmem>>
    %dma_start3A_9 = arith.constant 0 : i32
    %dma_start3A_10 = arith.constant 0 : i32
    %dma_start3A_11 = tpu.memref_slice %arg2[%dma_start3A_9, %dma_start3A_10] : memref<1000000x128xf32, #tpu.memory_space<hbm>> -> memref<1000000x128xf32, #tpu.memory_space<hbm>>
    tpu.enqueue_indirect_dma source(%dma_start3A_11 : memref<1000000x128xf32, #tpu.memory_space<hbm>>) target(%arg8 : memref<128x128xf32, #tpu.memory_space<vmem>>) offsets(%dma_start3A_8 : memref<128xi32, #tpu.memory_space<vmem>>) semaphore(%arg12 : memref<!tpu.dma_semaphore, #tpu.memory_space<semaphore_mem>>)
    %scan3A_12 = arith.constant 0 : i32
    %scan3A_13 = arith.constant 0 : i32
    %scan3A_14 = arith.constant 100 : i32
    %scan3A_15 = arith.addi %scan3A_13, %scan3A_14 : i32
    %scan3A_16 = arith.constant 1 : i32
    scf.for %scan3A_25 = %scan3A_13 to %scan3A_15 step %scan3A_16  : i32 {
      %mul3A_26 = arith.constant 2 : i32
      %mul3A_27 = arith.muli %mul3A_26, %scan3A_25 : i32
      %add3A_28 = arith.constant 1 : i32
      %add3A_29 = arith.addi %mul3A_27, %add3A_28 : i32
      %mul3A_30 = arith.constant 128 : i32
      %mul3A_31 = arith.muli %add3A_29, %mul3A_30 : i32
      %dma_start3A_32 = tpu.memref_slice %arg6[%mul3A_31] : memref<25600xi32, #tpu.memory_space<vmem>> -> memref<128xi32, #tpu.memory_space<vmem>>
      %dma_start3A_33 = arith.constant 0 : i32
      %dma_start3A_34 = arith.constant 0 : i32
      %dma_start3A_35 = tpu.memref_slice %arg2[%dma_start3A_33, %dma_start3A_34] : memref<1000000x128xf32, #tpu.memory_space<hbm>> -> memref<1000000x128xf32, #tpu.memory_space<hbm>>
      tpu.enqueue_indirect_dma source(%dma_start3A_35 : memref<1000000x128xf32, #tpu.memory_space<hbm>>) target(%arg9 : memref<128x128xf32, #tpu.memory_space<vmem>>) offsets(%dma_start3A_32 : memref<128xi32, #tpu.memory_space<vmem>>) semaphore(%arg13 : memref<!tpu.dma_semaphore, #tpu.memory_space<semaphore_mem>>)
      %dma_wait3A_36 = arith.constant 0 : i32
      %dma_wait3A_37 = tpu.memref_slice %arg6[%dma_wait3A_36] : memref<25600xi32, #tpu.memory_space<vmem>> -> memref<128xi32, #tpu.memory_space<vmem>>
      %dma_wait3A_38 = arith.constant 0 : i32
      %dma_wait3A_39 = arith.constant 0 : i32
      %dma_wait3A_40 = tpu.memref_slice %arg2[%dma_wait3A_38, %dma_wait3A_39] : memref<1000000x128xf32, #tpu.memory_space<hbm>> -> memref<1000000x128xf32, #tpu.memory_space<hbm>>
      tpu.wait_indirect_dma semaphore(%arg12 : memref<!tpu.dma_semaphore, #tpu.memory_space<semaphore_mem>>) src(%dma_wait3A_40 : memref<1000000x128xf32, #tpu.memory_space<hbm>>) dst(%arg8 : memref<128x128xf32, #tpu.memory_space<vmem>>)
      %gt3A = arith.constant 0 : i32
      %gt3A_41 = arith.cmpi sgt, %scan3A_25, %gt3A : i32
      %convert_element_type3A = arith.extui %gt3A_41 : i1 to i32
      %cond3A = arith.constant 0 : i32
      %cond3A_42 = arith.cmpi ne, %convert_element_type3A, %cond3A : i32
      scf.if %cond3A_42 {
        %dma_wait3A_87 = arith.constant 0 : i32
        %dma_wait3A_88 = tpu.memref_slice %arg5[%mul3A_2, %dma_wait3A_87] : memref<819200x64xf32, #tpu.memory_space<hbm>> -> memref<128x64xf32, #tpu.memory_space<hbm>>
        %dma_wait3A_89 = arith.constant 0 : i32
        %dma_wait3A_90 = tpu.memref_slice %arg5[%mul3A_2, %dma_wait3A_89] : memref<819200x64xf32, #tpu.memory_space<hbm>> -> memref<128x64xf32, #tpu.memory_space<hbm>>
        tpu.wait_dma2 semaphore(%arg14 : memref<!tpu.dma_semaphore, #tpu.memory_space<semaphore_mem>>) src(%arg10 : memref<128x64xf32, #tpu.memory_space<vmem>>) dst(%dma_wait3A_90 : memref<128x64xf32, #tpu.memory_space<hbm>>)
      } else {
      }
      %scan3A_43 = arith.constant 0 : i32
      %scan3A_44 = arith.constant 0 : i32
      %scan3A_45 = arith.constant 128 : i32
      %scan3A_46 = arith.addi %scan3A_44, %scan3A_45 : i32
      %scan3A_47 = arith.constant 1 : i32
      scf.for %scan3A_87 = %scan3A_44 to %scan3A_46 step %scan3A_47  : i32 {
        %get3A = arith.index_cast %scan3A_87 : i32 to index
        %get3A_88 = arith.constant 0 : index
        %get3A_89 = tpu.vector_load %arg8[%get3A, %get3A_88] {strides = array<i32>} : memref<128x128xf32, #tpu.memory_space<vmem>>, vector<1x16xf32>,
        %get3A_90 = vector.shape_cast %get3A_89 : vector<1x16xf32> to vector<16xf32>
        %swap3A = arith.index_cast %scan3A_87 : i32 to index
        %swap3A_91 = arith.constant 0 : index
        %swap3A_92 = tpu.vector_load %arg10[%swap3A, %swap3A_91] {strides = array<i32>} : memref<128x64xf32, #tpu.memory_space<vmem>>, vector<1x16xf32>,
        %swap3A_93 = vector.shape_cast %swap3A_92 : vector<1x16xf32> to vector<16xf32>
        %swap3A_94 = vector.shape_cast %get3A_90 : vector<16xf32> to vector<1x16xf32>
        tpu.vector_store %arg10[%swap3A, %swap3A_91], %swap3A_94 {strides = array<i32>} : memref<128x64xf32, #tpu.memory_space<vmem>>, vector<1x16xf32>,
        %get3A_95 = arith.index_cast %scan3A_87 : i32 to index
        %get3A_96 = arith.constant 16 : index
        %get3A_97 = tpu.vector_load %arg8[%get3A_95, %get3A_96] {strides = array<i32>} : memref<128x128xf32, #tpu.memory_space<vmem>>, vector<1x16xf32>,
        %get3A_98 = vector.shape_cast %get3A_97 : vector<1x16xf32> to vector<16xf32>
        %swap3A_99 = arith.index_cast %scan3A_87 : i32 to index
        %swap3A_100 = arith.constant 16 : index
        %swap3A_101 = tpu.vector_load %arg10[%swap3A_99, %swap3A_100] {strides = array<i32>} : memref<128x64xf32, #tpu.memory_space<vmem>>, vector<1x16xf32>,
        %swap3A_102 = vector.shape_cast %swap3A_101 : vector<1x16xf32> to vector<16xf32>
        %swap3A_103 = vector.shape_cast %get3A_98 : vector<16xf32> to vector<1x16xf32>
        tpu.vector_store %arg10[%swap3A_99, %swap3A_100], %swap3A_103 {strides = array<i32>} : memref<128x64xf32, #tpu.memory_space<vmem>>, vector<1x16xf32>,
        %get3A_104 = arith.index_cast %scan3A_87 : i32 to index
        %get3A_105 = arith.constant 32 : index
        %get3A_106 = tpu.vector_load %arg8[%get3A_104, %get3A_105] {strides = array<i32>} : memref<128x128xf32, #tpu.memory_space<vmem>>, vector<1x16xf32>,
        %get3A_107 = vector.shape_cast %get3A_106 : vector<1x16xf32> to vector<16xf32>
        %swap3A_108 = arith.index_cast %scan3A_87 : i32 to index
        %swap3A_109 = arith.constant 32 : index
        %swap3A_110 = tpu.vector_load %arg10[%swap3A_108, %swap3A_109] {strides = array<i32>} : memref<128x64xf32, #tpu.memory_space<vmem>>, vector<1x16xf32>,
        %swap3A_111 = vector.shape_cast %swap3A_110 : vector<1x16xf32> to vector<16xf32>
        %swap3A_112 = vector.shape_cast %get3A_107 : vector<16xf32> to vector<1x16xf32>
        tpu.vector_store %arg10[%swap3A_108, %swap3A_109], %swap3A_112 {strides = array<i32>} : memref<128x64xf32, #tpu.memory_space<vmem>>, vector<1x16xf32>,
        %get3A_113 = arith.index_cast %scan3A_87 : i32 to index
        %get3A_114 = arith.constant 48 : index
        %get3A_115 = tpu.vector_load %arg8[%get3A_113, %get3A_114] {strides = array<i32>} : memref<128x128xf32, #tpu.memory_space<vmem>>, vector<1x16xf32>,
        %get3A_116 = vector.shape_cast %get3A_115 : vector<1x16xf32> to vector<16xf32>
        %swap3A_117 = arith.index_cast %scan3A_87 : i32 to index
        %swap3A_118 = arith.constant 48 : index
        %swap3A_119 = tpu.vector_load %arg10[%swap3A_117, %swap3A_118] {strides = array<i32>} : memref<128x64xf32, #tpu.memory_space<vmem>>, vector<1x16xf32>,
        %swap3A_120 = vector.shape_cast %swap3A_119 : vector<1x16xf32> to vector<16xf32>
        %swap3A_121 = vector.shape_cast %get3A_116 : vector<16xf32> to vector<1x16xf32>
        tpu.vector_store %arg10[%swap3A_117, %swap3A_118], %swap3A_121 {strides = array<i32>} : memref<128x64xf32, #tpu.memory_space<vmem>>, vector<1x16xf32>,
      }
      %scan3A_48 = arith.constant 128 : i32
      %mul3A_49 = arith.constant 128 : i32
      %mul3A_50 = arith.muli %mul3A_27, %mul3A_49 : i32
      %add3A_51 = arith.addi %mul3A_2, %mul3A_50 : i32
      %dma_start3A_52 = arith.constant 0 : i32
      %dma_start3A_53 = tpu.memref_slice %arg5[%add3A_51, %dma_start3A_52] : memref<819200x64xf32, #tpu.memory_space<hbm>> -> memref<128x64xf32, #tpu.memory_space<hbm>>
      %dma_start3A_54 = arith.constant 0 : i32
      %dma_start3A_55 = tpu.memref_slice %arg5[%add3A_51, %dma_start3A_54] : memref<819200x64xf32, #tpu.memory_space<hbm>> -> memref<128x64xf32, #tpu.memory_space<hbm>>
      tpu.enqueue_dma source(%arg10 : memref<128x64xf32, #tpu.memory_space<vmem>>) target(%dma_start3A_55 : memref<128x64xf32, #tpu.memory_space<hbm>>) target_semaphore(%arg14 : memref<!tpu.dma_semaphore, #tpu.memory_space<semaphore_mem>>)
      %add3A_56 = arith.constant 2 : i32
      %add3A_57 = arith.addi %mul3A_27, %add3A_56 : i32
      %lt3A = arith.constant 200 : i32
      %lt3A_58 = arith.cmpi slt, %add3A_57, %lt3A : i32
      %convert_element_type3A_59 = arith.extui %lt3A_58 : i1 to i32
      %cond3A_60 = arith.constant 0 : i32
      %cond3A_61 = arith.cmpi ne, %convert_element_type3A_59, %cond3A_60 : i32
      scf.if %cond3A_61 {
        %add3A_87 = arith.constant 2 : i32
        %add3A_88 = arith.addi %mul3A_27, %add3A_87 : i32
        %mul3A_89 = arith.constant 128 : i32
        %mul3A_90 = arith.muli %add3A_88, %mul3A_89 : i32
        %dma_start3A_91 = tpu.memref_slice %arg6[%mul3A_90] : memref<25600xi32, #tpu.memory_space<vmem>> -> memref<128xi32, #tpu.memory_space<vmem>>
        %dma_start3A_92 = arith.constant 0 : i32
        %dma_start3A_93 = arith.constant 0 : i32
        %dma_start3A_94 = tpu.memref_slice %arg2[%dma_start3A_92, %dma_start3A_93] : memref<1000000x128xf32, #tpu.memory_space<hbm>> -> memref<1000000x128xf32, #tpu.memory_space<hbm>>
        tpu.enqueue_indirect_dma source(%dma_start3A_94 : memref<1000000x128xf32, #tpu.memory_space<hbm>>) target(%arg8 : memref<128x128xf32, #tpu.memory_space<vmem>>) offsets(%dma_start3A_91 : memref<128xi32, #tpu.memory_space<vmem>>) semaphore(%arg12 : memref<!tpu.dma_semaphore, #tpu.memory_space<semaphore_mem>>)
      } else {
      }
      %dma_wait3A_62 = arith.constant 0 : i32
      %dma_wait3A_63 = tpu.memref_slice %arg6[%dma_wait3A_62] : memref<25600xi32, #tpu.memory_space<vmem>> -> memref<128xi32, #tpu.memory_space<vmem>>
      %dma_wait3A_64 = arith.constant 0 : i32
      %dma_wait3A_65 = arith.constant 0 : i32
      %dma_wait3A_66 = tpu.memref_slice %arg2[%dma_wait3A_64, %dma_wait3A_65] : memref<1000000x128xf32, #tpu.memory_space<hbm>> -> memref<1000000x128xf32, #tpu.memory_space<hbm>>
      tpu.wait_indirect_dma semaphore(%arg13 : memref<!tpu.dma_semaphore, #tpu.memory_space<semaphore_mem>>) src(%dma_wait3A_66 : memref<1000000x128xf32, #tpu.memory_space<hbm>>) dst(%arg9 : memref<128x128xf32, #tpu.memory_space<vmem>>)
      %gt3A_67 = arith.constant 0 : i32
      %gt3A_68 = arith.cmpi sgt, %scan3A_25, %gt3A_67 : i32
      %convert_element_type3A_69 = arith.extui %gt3A_68 : i1 to i32
      %cond3A_70 = arith.constant 0 : i32
      %cond3A_71 = arith.cmpi ne, %convert_element_type3A_69, %cond3A_70 : i32
      scf.if %cond3A_71 {
        %dma_wait3A_87 = arith.constant 0 : i32
        %dma_wait3A_88 = tpu.memref_slice %arg5[%mul3A_2, %dma_wait3A_87] : memref<819200x64xf32, #tpu.memory_space<hbm>> -> memref<128x64xf32, #tpu.memory_space<hbm>>
        %dma_wait3A_89 = arith.constant 0 : i32
        %dma_wait3A_90 = tpu.memref_slice %arg5[%mul3A_2, %dma_wait3A_89] : memref<819200x64xf32, #tpu.memory_space<hbm>> -> memref<128x64xf32, #tpu.memory_space<hbm>>
        tpu.wait_dma2 semaphore(%arg15 : memref<!tpu.dma_semaphore, #tpu.memory_space<semaphore_mem>>) src(%arg11 : memref<128x64xf32, #tpu.memory_space<vmem>>) dst(%dma_wait3A_90 : memref<128x64xf32, #tpu.memory_space<hbm>>)
      } else {
      }
      %scan3A_72 = arith.constant 0 : i32
      %scan3A_73 = arith.constant 0 : i32
      %scan3A_74 = arith.constant 128 : i32
      %scan3A_75 = arith.addi %scan3A_73, %scan3A_74 : i32
      %scan3A_76 = arith.constant 1 : i32
      scf.for %scan3A_87 = %scan3A_73 to %scan3A_75 step %scan3A_76  : i32 {
        %get3A = arith.index_cast %scan3A_87 : i32 to index
        %get3A_88 = arith.constant 0 : index
        %get3A_89 = tpu.vector_load %arg9[%get3A, %get3A_88] {strides = array<i32>} : memref<128x128xf32, #tpu.memory_space<vmem>>, vector<1x16xf32>,
        %get3A_90 = vector.shape_cast %get3A_89 : vector<1x16xf32> to vector<16xf32>
        %swap3A = arith.index_cast %scan3A_87 : i32 to index
        %swap3A_91 = arith.constant 0 : index
        %swap3A_92 = tpu.vector_load %arg11[%swap3A, %swap3A_91] {strides = array<i32>} : memref<128x64xf32, #tpu.memory_space<vmem>>, vector<1x16xf32>,
        %swap3A_93 = vector.shape_cast %swap3A_92 : vector<1x16xf32> to vector<16xf32>
        %swap3A_94 = vector.shape_cast %get3A_90 : vector<16xf32> to vector<1x16xf32>
        tpu.vector_store %arg11[%swap3A, %swap3A_91], %swap3A_94 {strides = array<i32>} : memref<128x64xf32, #tpu.memory_space<vmem>>, vector<1x16xf32>,
        %get3A_95 = arith.index_cast %scan3A_87 : i32 to index
        %get3A_96 = arith.constant 16 : index
        %get3A_97 = tpu.vector_load %arg9[%get3A_95, %get3A_96] {strides = array<i32>} : memref<128x128xf32, #tpu.memory_space<vmem>>, vector<1x16xf32>,
        %get3A_98 = vector.shape_cast %get3A_97 : vector<1x16xf32> to vector<16xf32>
        %swap3A_99 = arith.index_cast %scan3A_87 : i32 to index
        %swap3A_100 = arith.constant 16 : index
        %swap3A_101 = tpu.vector_load %arg11[%swap3A_99, %swap3A_100] {strides = array<i32>} : memref<128x64xf32, #tpu.memory_space<vmem>>, vector<1x16xf32>,
        %swap3A_102 = vector.shape_cast %swap3A_101 : vector<1x16xf32> to vector<16xf32>
        %swap3A_103 = vector.shape_cast %get3A_98 : vector<16xf32> to vector<1x16xf32>
        tpu.vector_store %arg11[%swap3A_99, %swap3A_100], %swap3A_103 {strides = array<i32>} : memref<128x64xf32, #tpu.memory_space<vmem>>, vector<1x16xf32>,
        %get3A_104 = arith.index_cast %scan3A_87 : i32 to index
        %get3A_105 = arith.constant 32 : index
        %get3A_106 = tpu.vector_load %arg9[%get3A_104, %get3A_105] {strides = array<i32>} : memref<128x128xf32, #tpu.memory_space<vmem>>, vector<1x16xf32>,
        %get3A_107 = vector.shape_cast %get3A_106 : vector<1x16xf32> to vector<16xf32>
        %swap3A_108 = arith.index_cast %scan3A_87 : i32 to index
        %swap3A_109 = arith.constant 32 : index
        %swap3A_110 = tpu.vector_load %arg11[%swap3A_108, %swap3A_109] {strides = array<i32>} : memref<128x64xf32, #tpu.memory_space<vmem>>, vector<1x16xf32>,
        %swap3A_111 = vector.shape_cast %swap3A_110 : vector<1x16xf32> to vector<16xf32>
        %swap3A_112 = vector.shape_cast %get3A_107 : vector<16xf32> to vector<1x16xf32>
        tpu.vector_store %arg11[%swap3A_108, %swap3A_109], %swap3A_112 {strides = array<i32>} : memref<128x64xf32, #tpu.memory_space<vmem>>, vector<1x16xf32>,
        %get3A_113 = arith.index_cast %scan3A_87 : i32 to index
        %get3A_114 = arith.constant 48 : index
        %get3A_115 = tpu.vector_load %arg9[%get3A_113, %get3A_114] {strides = array<i32>} : memref<128x128xf32, #tpu.memory_space<vmem>>, vector<1x16xf32>,
        %get3A_116 = vector.shape_cast %get3A_115 : vector<1x16xf32> to vector<16xf32>
        %swap3A_117 = arith.index_cast %scan3A_87 : i32 to index
        %swap3A_118 = arith.constant 48 : index
        %swap3A_119 = tpu.vector_load %arg11[%swap3A_117, %swap3A_118] {strides = array<i32>} : memref<128x64xf32, #tpu.memory_space<vmem>>, vector<1x16xf32>,
        %swap3A_120 = vector.shape_cast %swap3A_119 : vector<1x16xf32> to vector<16xf32>
        %swap3A_121 = vector.shape_cast %get3A_116 : vector<16xf32> to vector<1x16xf32>
        tpu.vector_store %arg11[%swap3A_117, %swap3A_118], %swap3A_121 {strides = array<i32>} : memref<128x64xf32, #tpu.memory_space<vmem>>, vector<1x16xf32>,
      }
      %scan3A_77 = arith.constant 128 : i32
      %add3A_78 = arith.constant 1 : i32
      %add3A_79 = arith.addi %mul3A_27, %add3A_78 : i32
      %mul3A_80 = arith.constant 128 : i32
      %mul3A_81 = arith.muli %add3A_79, %mul3A_80 : i32
      %add3A_82 = arith.addi %mul3A_2, %mul3A_81 : i32
      %dma_start3A_83 = arith.constant 0 : i32
      %dma_start3A_84 = tpu.memref_slice %arg5[%add3A_82, %dma_start3A_83] : memref<819200x64xf32, #tpu.memory_space<hbm>> -> memref<128x64xf32, #tpu.memory_space<hbm>>
      %dma_start3A_85 = arith.constant 0 : i32
      %dma_start3A_86 = tpu.memref_slice %arg5[%add3A_82, %dma_start3A_85] : memref<819200x64xf32, #tpu.memory_space<hbm>> -> memref<128x64xf32, #tpu.memory_space<hbm>>
      tpu.enqueue_dma source(%arg11 : memref<128x64xf32, #tpu.memory_space<vmem>>) target(%dma_start3A_86 : memref<128x64xf32, #tpu.memory_space<hbm>>) target_semaphore(%arg15 : memref<!tpu.dma_semaphore, #tpu.memory_space<semaphore_mem>>)
    }
    %scan3A_17 = arith.constant 100 : i32
    %dma_wait3A = arith.constant 0 : i32
    %dma_wait3A_18 = tpu.memref_slice %arg5[%mul3A_2, %dma_wait3A] : memref<819200x64xf32, #tpu.memory_space<hbm>> -> memref<128x64xf32, #tpu.memory_space<hbm>>
    %dma_wait3A_19 = arith.constant 0 : i32
    %dma_wait3A_20 = tpu.memref_slice %arg5[%mul3A_2, %dma_wait3A_19] : memref<819200x64xf32, #tpu.memory_space<hbm>> -> memref<128x64xf32, #tpu.memory_space<hbm>>
    tpu.wait_dma2 semaphore(%arg14 : memref<!tpu.dma_semaphore, #tpu.memory_space<semaphore_mem>>) src(%arg10 : memref<128x64xf32, #tpu.memory_space<vmem>>) dst(%dma_wait3A_20 : memref<128x64xf32, #tpu.memory_space<hbm>>)
    %dma_wait3A_21 = arith.constant 0 : i32
    %dma_wait3A_22 = tpu.memref_slice %arg5[%mul3A_2, %dma_wait3A_21] : memref<819200x64xf32, #tpu.memory_space<hbm>> -> memref<128x64xf32, #tpu.memory_space<hbm>>
    %dma_wait3A_23 = arith.constant 0 : i32
    %dma_wait3A_24 = tpu.memref_slice %arg5[%mul3A_2, %dma_wait3A_23] : memref<819200x64xf32, #tpu.memory_space<hbm>> -> memref<128x64xf32, #tpu.memory_space<hbm>>
    tpu.wait_dma2 semaphore(%arg15 : memref<!tpu.dma_semaphore, #tpu.memory_space<semaphore_mem>>) src(%arg11 : memref<128x64xf32, #tpu.memory_space<vmem>>) dst(%dma_wait3A_24 : memref<128x64xf32, #tpu.memory_space<hbm>>)
    return
  }
}

module attributes {stable_mosaic.version = 14 : i64} {
  func.func @_stay_body(%arg0: i32, %arg1: memref<512x200xi32, #tpu.memory_space<vmem>>, %arg2: memref<512x200xi32, #tpu.memory_space<vmem>>, %arg3: memref<512x200xi32, #tpu.memory_space<vmem>>, %arg4: memref<512x200xi32, #tpu.memory_space<vmem>>, %arg5: memref<512x200xi32, #tpu.memory_space<vmem>>) attributes {dimension_semantics = [#tpu.dimension_semantics<arbitrary>], iteration_bounds = array<i64: 8>, scalar_prefetch = 0 : i64, scratch_operands = 0 : i64, tpu.core_type = #tpu.core_type<tc>, window_params = [{transform_indices = @transform_0, window_bounds = array<i64: 512, 200>}, {transform_indices = @transform_1, window_bounds = array<i64: 512, 200>}, {transform_indices = @transform_2, window_bounds = array<i64: 512, 200>}, {transform_indices = @transform_3, window_bounds = array<i64: 512, 200>}, {transform_indices = @transform_4, window_bounds = array<i64: 512, 200>}]} {
    %get3A = arith.constant 0 : index
    %get3A_0 = arith.constant 0 : index
    %get3A_1 = vector.load %arg3[%get3A, %get3A_0] : memref<512x200xi32, #tpu.memory_space<vmem>>, vector<512x200xi32>
    %get3A_2 = arith.constant 0 : index
    %get3A_3 = arith.constant 0 : index
    %get3A_4 = vector.load %arg4[%get3A_2, %get3A_3] : memref<512x200xi32, #tpu.memory_space<vmem>>, vector<512x200xi32>
    %ne3A = arith.cmpi ne, %get3A_1, %get3A_4 : vector<512x200xi32>
    %jit3A = arith.constant 48 : i32
    %jit3A_5 = arith.constant 0 : i32
    %broadcast_in_dim3A = vector.broadcast %jit3A : i32 to vector<512x200xi32>
    %broadcast_in_dim3A_6 = vector.broadcast %jit3A_5 : i32 to vector<512x200xi32>
    %select_n3A = arith.select %ne3A, %broadcast_in_dim3A, %broadcast_in_dim3A_6 : vector<512x200xi1>, vector<512x200xi32>
    %get3A_7 = arith.constant 0 : index
    %get3A_8 = arith.constant 0 : index
    %get3A_9 = vector.load %arg2[%get3A_7, %get3A_8] : memref<512x200xi32, #tpu.memory_space<vmem>>, vector<512x200xi32>
    %add3A = arith.addi %select_n3A, %get3A_9 : vector<512x200xi32>
    %get3A_10 = arith.constant 0 : index
    %get3A_11 = arith.constant 0 : index
    %get3A_12 = vector.load %arg1[%get3A_10, %get3A_11] : memref<512x200xi32, #tpu.memory_space<vmem>>, vector<512x200xi32>
    %sub3A = arith.subi %add3A, %get3A_12 : vector<512x200xi32>
    %swap3A = arith.constant 0 : index
    %swap3A_13 = arith.constant 0 : index
    %swap3A_14 = vector.load %arg5[%swap3A, %swap3A_13] : memref<512x200xi32, #tpu.memory_space<vmem>>, vector<512x200xi32>
    tpu.vector_store %arg5[%swap3A, %swap3A_13], %sub3A {strides = array<i32>} : memref<512x200xi32, #tpu.memory_space<vmem>>, vector<512x200xi32>,
    return
  }
  func.func @transform_0(%arg0: i32) -> (i32, i32) {
    %c0_i32 = arith.constant 0 : i32
    %c0_i32_0 = arith.constant 0 : i32
    return %arg0, %c0_i32 : i32, i32
  }
  func.func @transform_1(%arg0: i32) -> (i32, i32) {
    %c0_i32 = arith.constant 0 : i32
    %c0_i32_0 = arith.constant 0 : i32
    return %arg0, %c0_i32 : i32, i32
  }
  func.func @transform_2(%arg0: i32) -> (i32, i32) {
    %c0_i32 = arith.constant 0 : i32
    %c0_i32_0 = arith.constant 0 : i32
    return %arg0, %c0_i32 : i32, i32
  }
  func.func @transform_3(%arg0: i32) -> (i32, i32) {
    %c0_i32 = arith.constant 0 : i32
    %c0_i32_0 = arith.constant 0 : i32
    return %arg0, %c0_i32 : i32, i32
  }
  func.func @transform_4(%arg0: i32) -> (i32, i32) {
    %c0_i32 = arith.constant 0 : i32
    %c0_i32_0 = arith.constant 0 : i32
    return %arg0, %c0_i32 : i32, i32
  }
}

</mosaic_0001>

<sc_bundles>
// kernel: kernel.4.cloned.1.call-start
scs
__scs_entry_jumppad:
0x0: {  	(pc) =	sbr.rel $0x88, $3  }
0x1: {  	(tag) =	ssettag $0x0;
	lr =	simm.s32 $0x1  }
0x2: {  	[smem:$0x3F9F] =	sst lr;
	_ =	strace $0xD0000000  }
0x3: {  	_ = 	snop  }
0x4: {  	_ = 	snop  }
0x5: {  	_ = 	snop  }
0x6: {  	_ = 	snop  }
0x7: {  	_ = 	snop  }
__scs_overlays_trampoline_lowered:
0x8: {  	[smem:$0x3FAE] =	sst s0  }
0x9: {  	[smem:$0x3FAF] =	sst s1  }
0xa: {  	[smem:$0x3FB0] =	sst s2  }
0xb: {  	[smem:$0x3FB1] =	sst s3  }
0xc: {  	[smem:$0x3FB2] =	sst s4  }
0xd: {  	[smem:$0x3FB3] =	sst s5  }
0xe: {  	[smem:$0x3FB4] =	sst s6  }
0xf: {  	[smem:$0x3FB5] =	sst s7  }
0x10: {  	[smem:$0x3FB6] =	sst s8  }
0x11: {  	[smem:$0x3FB7] =	sst s9;
	s0 =	simm.s32 @!p0 $0x0  }
0x12: {  	s1 =	sld [smem:$0x3F9D];
	s0 =	simm.s32 @p0 $0x1  }
0x13: {  	[smem:$0x3FB8] =	sst s0;
	s0 =	simm.s32 @!p1 $0x0  }
0x14: {  	s2 =	sld [smem:$0x3F9C];
	s0 =	simm.s32 @p1 $0x1  }
0x15: {  	[smem:$0x3FB9] =	sst s0;
	s0 =	simm.s32 @!p2 $0x0  }
0x16: {  	s3 =	sld [smem:$0x3FDB];
	s0 =	simm.s32 @p2 $0x1  }
0x17: {  	s4 =	simm.s32 $0x1BF5;
	[smem:$0x3FBB] =	sst s0  }
0x18: {  	s0 =	sld [smem:$0x3F9E];
	_ =	swait.ge [sflag:s4], $0x0  }
0x19: {  	s7 =	sld [smem:$0x3F9F]  }
0x1a: {  	s8 =	sadd.s32 $0xFFFFE003, lr  }
0x1b: {  	s9 =	sadd.s32 $0xFFFFFEF7, lr;
	s5 =	simm.s32 $0xFFFFFFFF;
	p2 =	slt.u32 s8, $0xFFFFF086  }
0x1c: {  	p1 =	slt.u32 s9, $0xF7A;
	s5 =	simm.s32 @!p2 $0x0  }
0x1d: {  	s5 =	simm.s32 @p1 $0x1;
	p0 =	seq.s32 s7, s2  }
0x1e: {  	s7 =	smul.u32 @!p0 $0xF7A, s2;
	p2 =	seq.s32 @!p0 s5, $0x0  }
0x1f: {  	s9 =	smul.u32 $0xF7A, s1;
	s8 =	simm.s32 @!p0 $0x1BF5;
	p2 =	por !p2, p0  }
0x20: {  	[sflag:s8] =	ssyncset.s32 @!p0 $0xFFFFF086;
	s6 =	sadd.s32 @!p0 s3, s7;
	s7 =	simm.s32 @!p0 $0x108  }
0x21: {  	s3 =	sadd.s32 s3, s9;
	s6 =	sadd.s32 @!p0 $0x88, s6;
	s7 =	simm.s32 @p2 $0x1082  }
0x22: {  	[simem:s7], [sflag:s8] =	dma.local @!p0 [hbm:s6], $0xF7A  }
0x23: {  	s9 =	sor.u32 $0xD0000000, s2;
	s6 =	simm.s32 $0x108;
	_ =	swait.ge @!p0 [sflag:s8], $0x0  }
0x24: {  	s3 =	sadd.s32 $0x88, s3;
	s6 =	simm.s32 @!p1 $0x1082;
	[sflag:s4] =	ssyncset.s32 $0xFFFFF086  }
0x25: {  	[simem:s6], [sflag:s4] =	dma.local [hbm:s3], $0xF7A  }
0x26: {  	[smem:$0x3F9F] =	sst s1;
	(tag) =	ssettag s2;
	_ =	strace s9  }
0x27: {  	s1 =	sld [smem:$0x3FAF]  }
0x28: {  	s2 =	sld [smem:$0x3FB0]  }
0x29: {  	s4 =	sld [smem:$0x3FB2]  }
0x2a: {  	p0 =	seq.s32 s5, $0x0;
	s5 =	sld [smem:$0x3FB3]  }
0x2b: {  	s6 =	sld [smem:$0x3FB4]  }
0x2c: {  	s7 =	sld [smem:$0x3FB5]  }
0x2d: {  	s3 =	simm.s32 $0x108;
	s8 =	sld [smem:$0x3FB6]  }
0x2e: {  	s3 =	simm.s32 @!p0 $0x1082;
	s9 =	sld [smem:$0x3FB7]  }
0x2f: {  	lr =	sadd.s32 s0, s3;
	s0 =	sld [smem:$0x3FAE]  }
0x30: {  	s3 =	sld [smem:$0x3FB1]  }
0x31: {  	[smem:$0x3FBA] =	sst s10  }
0x32: {  	s10 =	sld [smem:$0x3FB8];
	_ =	sdelay $0x3  }
0x33: {  	p0 =	seq.s32 s10, $0x1;
	s10 =	sld [smem:$0x3FBA];
	_ =	sdelay $0x3  }
0x34: {  	[smem:$0x3FBA] =	sst s10  }
0x35: {  	s10 =	sld [smem:$0x3FB9];
	_ =	sdelay $0x3  }
0x36: {  	p1 =	seq.s32 s10, $0x1;
	s10 =	sld [smem:$0x3FBA];
	_ =	sdelay $0x3  }
0x37: {  	[smem:$0x3FBA] =	sst s10  }
0x38: {  	s10 =	sld [smem:$0x3FBB]  }
0x39: {  	_ = 	snop;
	(pc) =	sbr.ind lr, $3  }
0x3a: {  	_ = 	snop  }
0x3b: {  	_ = 	snop  }
0x3c: {  	p2 =	seq.s32 s10, $0x1;
	s10 =	sld [smem:$0x3FBA]  }
0x3d: {  	_ =	shalt  }
0x3e: {  	_ =	shalt  }
0x3f: {  	_ =	shalt  }
0x40: {  	_ =	shalt  }
0x41: {  	_ =	shalt  }
0x42: {  	_ =	shalt  }
0x43: {  	_ =	shalt  }
0x44: {  	_ =	shalt  }
0x45: {  	_ =	shalt  }
0x46: {  	_ =	shalt  }
0x47: {  	_ =	shalt  }
0x48: {  	_ =	shalt  }
0x49: {  	_ =	shalt  }
0x4a: {  	_ =	shalt  }
0x4b: {  	_ =	shalt  }
0x4c: {  	_ =	shalt  }
0x4d: {  	_ =	shalt  }
0x4e: {  	_ =	shalt  }
0x4f: {  	_ =	shalt  }
0x50: {  	_ =	shalt  }
0x51: {  	_ =	shalt  }
0x52: {  	_ =	shalt  }
0x53: {  	_ =	shalt  }
0x54: {  	_ =	shalt  }
0x55: {  	_ =	shalt  }
0x56: {  	_ =	shalt  }
0x57: {  	_ =	shalt  }
0x58: {  	_ =	shalt  }
0x59: {  	_ =	shalt  }
0x5a: {  	_ =	shalt  }
0x5b: {  	_ =	shalt  }
0x5c: {  	_ =	shalt  }
0x5d: {  	_ =	shalt  }
0x5e: {  	_ =	shalt  }
0x5f: {  	_ =	shalt  }
0x60: {  	_ =	shalt  }
0x61: {  	_ =	shalt  }
0x62: {  	_ =	shalt  }
0x63: {  	_ =	shalt  }
0x64: {  	_ =	shalt  }
0x65: {  	_ =	shalt  }
0x66: {  	_ =	shalt  }
0x67: {  	_ =	shalt  }
0x68: {  	_ =	shalt  }
0x69: {  	_ =	shalt  }
0x6a: {  	_ =	shalt  }
0x6b: {  	_ =	shalt  }
0x6c: {  	_ =	shalt  }
0x6d: {  	_ =	shalt  }
0x6e: {  	_ =	shalt  }
0x6f: {  	_ =	shalt  }
0x70: {  	_ =	shalt  }
0x71: {  	_ =	shalt  }
0x72: {  	_ =	shalt  }
0x73: {  	_ =	shalt  }
0x74: {  	_ =	shalt  }
0x75: {  	_ =	shalt  }
0x76: {  	_ =	shalt  }
0x77: {  	_ =	shalt  }
0x78: {  	_ =	shalt  }
0x79: {  	_ =	shalt  }
0x7a: {  	_ =	shalt  }
0x7b: {  	_ =	shalt  }
0x7c: {  	_ =	shalt  }
0x7d: {  	_ =	shalt  }
0x7e: {  	_ =	shalt  }
0x7f: {  	_ =	shalt  }
0x80: {  	_ =	shalt  }
0x81: {  	_ =	shalt  }
0x82: {  	_ =	shalt  }
0x83: {  	_ =	shalt  }
0x84: {  	_ =	shalt  }
0x85: {  	_ =	shalt  }
0x86: {  	_ =	shalt  }
0x87: {  	_ =	shalt  }
.Lfunc_end0:
.L_simem_size_0:
called_computation.1_lowered:
.L_overlay_start_0:
0x88: {  	s2 =	sld [smem:$0x3FD9]  }
0x89: {  	s3 =	sld [smem:$0x3FFE];
	_ =	sdelay $0x1  }
0x8a: {  	s1 =	srdreg.scid  }
0x8b: {  	s0 =	sand.u32 $0x1, s1  }
0x8c: {  	s14 =	sshll.u32 s0, $0xA;
	s2 =	sadd.s32 s3, s2  }
0x8d: {  	s2 =	sadd.s32 s2, s14  }
0x8e: {  	[smem:$0x3FC6] =	sst s2  }
0x8f: {  	_ = 	snop  }
0x90: {  	s2 =	sld [smem:$0x3FD0];
	_ =	sdelay $0x2  }
0x91: {  	s15 =	simm.s32 $0xA;
	s4 =	simm.s32 $0x10  }
0x92: {  	[smem:s4], [sflag:s15] =	dma.local [hbm:s2], $0x1  }
0x93: {  	_ =	swait.eq [sflag:s15], $0x1  }
0x94: {  	[sflag:s15] =	ssyncset.done $0x0  }
0x95: {  	[sflag:s15] =	ssyncadd.s32 $0xFFFFFFFF  }
0x96: {  	s16 =	sld [smem:$0x10];
	(tm) =	ssettm $0x1  }
0x97: {  	s17 =	sld [smem:$0x3FFB];
	_ =	sdelay $0x3  }
0x98: {  	_ =	strace s17  }
0x99: {  	s3 =	sld [smem:$0x3FFC];
	_ =	sdelay $0x3  }
0x9a: {  	_ =	strace s3  }
0x9b: {  	s3 =	sld [smem:$0x3FFD];
	_ =	sdelay $0x3  }
0x9c: {  	_ =	strace s3  }
0x9d: {  	_ =	strace $0x8FFFFFFF  }
0x9e: {  	s18 =	sld [smem:$0x3FDB];
	_ =	sdelay $0x1  }
0x9f: {  	s19 =	simm.s32 $_scs_section_size  }
0xa0: {  	s5 =	simm.s32 $_size__tile_overlayer_lowered;
	s6 =	simm.s32 $_tile_overlayer_lowered  }
0xa1: {  	s22 =	simm.s32 $0x1BFF;
	s21 =	sshll.u32 s6, $0x1;
	s3 =	sadd.s32 s19, s18  }
0xa2: {  	s7 =	simm.s32 $0x0;
	s20 =	sshll.u32 s5, $0x1;
	s5 =	sadd.s32 s21, s3  }
0xa3: {  	[timem:s7], [sflag:s22] =	dma.local [hbm:s5], s20  }
0xa4: {  	_ =	swait.ge [sflag:s22], s20  }
0xa5: {  	s4 =	ssub.s32 $0x0, s20;
	[sflag:s22] =	ssyncset.done $0x0  }
0xa6: {  	[sflag:s22] =	ssyncadd.s32 s4;
	_ =	sdelay $0x1  }
0xa7: {  	s23 =	simm.s32 $0x1B8B  }
0xa8: {  	_ =	swait.ge [sflag:s23], $0x1  }
0xa9: {  	[sflag:s23] =	ssyncset.done $0x0  }
0xaa: {  	s25 =	simm.s32 $0x1B8E;
	s24 =	sld [smem:$0x3FFE];
	[sflag:s23] =	ssyncadd.s32 $0xFFFFFFFF  }
0xab: {  	s26 =	simm.s32 $execute0_lowered;
	[smem:$0x3FD2] =	sst s25  }
0xac: {  	s5 =	sshll.u32 s26, $0x1;
	_ =	strace $0x80000046;
	[dreg:$0x1] =	wrdreg $0xFFFFFFFF  }
0xad: {  	s28 =	simm.s32 $_size_execute0_lowered;
	s3 =	sadd.s32 s3, s5;
	[dreg:$0x0] =	wrdreg $0x0  }
0xae: {  	s5 =	sshll.u32 s28, $0x1;
	[dreg:$0x2] =	wrdreg s3  }
0xaf: {  	[dreg:$0x3] =	wrdreg s5  }
0xb0: {  	[dreg:$0x4] =	wrdreg $0xC0  }
0xb1: {  	_ =	task [dreg:s7], $0x5FFFF  }
0xb2: {  	[dreg:$0x1] =	wrdreg $0xFFFFFFFF  }
0xb3: {  	[dreg:$0x0] =	wrdreg $0x60  }
0xb4: {  	[dreg:$0x2] =	wrdreg s24  }
0xb5: {  	[dreg:$0x3] =	wrdreg s16  }
0xb6: {  	[dreg:$0x4] =	wrdreg $0x9  }
0xb7: {  	_ =	task.clear_ibuf [dreg:s7], $0x5FFFF;
	_ =	strace $0x90000046  }
0xb8: {  	s29 =	simm.s32 $0x9;
	_ =	strace $0x80000048  }
0xb9: {  	_ =	swait.ge [sflag:s29], $0x1  }
0xba: {  	[sflag:s29] =	ssyncadd.s32 $0xFFFFFFFF  }
0xbb: {  	_ =	strace $0x90000048  }
0xbc: {  	_ =	sfence  }
0xbd: {  	s30 =	sld [smem:$0x0];
	_ =	sdelay $0x2  }
0xbe: {  	s31 =	sshll.u32 s1, $0xD;
	s1 =	sshrl.u32 s1, $0x2  }
0xbf: {  	s3 =	sand.u32 $0x4000, s31;
	s1 =	sadd.s32 s1, s30  }
0xc0: {  	s0 =	sor.u32 s3, s0;
	s1 =	sshll.u32 s1, $0x11  }
0xc1: {  	s0 =	sor.u32 s1, s0  }
0xc2: {  	s0 =	sadd.s32 $0x8F2B, s0  }
0xc3: {  	[sflag:s0] =	ssyncadd.remote.s32 $0x1  }
0xc4: {  	_ =	sfence.sel $0xFFFF  }
0xc5: {  	[dreg:$0x0] =	wrdreg $0xFFFFFFFF;
	(pc) =	sbr.abs _section_cstart, $3  }
0xc6: {  	[dreg:$0x1] =	wrdreg $0xFFFFFFFF  }
0xc7: {  	_ =	task.clear_ibuf [dreg:s7], $0x2FFFF;
	_ =	strace $0x9FFFFFFF  }
0xc8: {  	(tm) =	ssettm $0x7FFFFFFF  }
0xc9: {  	_ =	shalt  }
tec
execute0_lowered:
.L_overlay_start_1:
0x0: {  	(tag) =	ssettag $0x1  }
0x1: {  	s0 =	srdreg.scid;
	s5 =	rddreg [dreg:$0x0]  }
0x2: {  	s6 =	rddreg [dreg:$0x1];
	s2 =	simm.s32 $0x0;
	s12 =	simm.s32 $0x80  }
0x3: {  	s13 =	simm.s32 $0xC800;
	s14 =	simm.s32 $0x10800;
	s15 =	simm.s32 $0x1  }
0x4: {  	s16 =	simm.s32 $0x14800;
	s17 =	simm.s32 $0x2;
	s18 =	simm.s32 $0x4  }
0x5: {  	s19 =	simm.s32 $0x18800;
	s20 =	simm.s32 $0x3;
	s4 =	sand.u32 $0x1, s0  }
0x6: {  	s21 =	simm.s32 $0x0;
	s0 =	stileid.u32;
	s1 =	sshll.u32 s4, $0x4  }
0x7: {  	[smem:$0x7FF] =	sst s2;
	s9 =	ssub.s32 $0x2, s4;
	s8 =	sor.u32 s0, s1  }
0x8: {  	s4 =	sadd.s32 $0xFA7800, s5;
	s11 =	sshrl.u32 s9, $0x1;
	s3 =	smul.u32 $0x6400, s8  }
0x9: {  	s1 =	rddreg [dreg:$0x2];
	_ =	strace $0x80000047;
	s9 =	ssub.s32 s9, s11  }
0xa: {  	s8 =	smul.u32 $0x320000, s8;
	s11 =	simm.s32 $0x6400;
	s7 =	sshrl.u32 s3, $0x3  }
0xb: {  	s9 =	smax.u32 s9, $0x1;
	s10 =	sadd.s32 s7, s5;
	s5 =	sadd.s32 $0x1400, s5  }
0xc: {  	s6 =	sadd.s32 s6, s7;
	s7 =	sadd.s32 $0xF8E800, s10;
	s10 =	simm.s32 $0x5  }
.LBB2_1:
0xd: {  	[tilespmem:s2], [sflag:$0x5] =	stream.linear.gather [hbm4b:s6+s2], $0x6400, $0x38;
	[tilespmem:$0x1C800] =	vst v63  }
0xe: {  	_ =	swait.ge [sflag:s10], $0x6400  }
0xf: {  	[sflag:s10] =	ssyncset.done $0x0  }
0x10: {  	[sflag:s10] =	ssyncadd.s32 $0xFFFF9C00  }
0x11: {  	[tilespmem:s11], [sflag:$0x5] =	stream.linear.gather [hbm4b:s7+s2], $0x6400, $0x38;
	[tilespmem:$0x1C800] =	vst v63  }
0x12: {  	_ =	swait.ge [sflag:s10], $0x6400  }
0x13: {  	[sflag:s10] =	ssyncset.done $0x0  }
0x14: {  	s22 =	simm.s32 $0x0;
	[sflag:s10] =	ssyncadd.s32 $0xFFFF9C00  }
0x15: {  	s23 =	simm.s32 $0x40;
	v0 =	vld [tilespmem:s22+$0x6400]  }
.LBB2_2:
0x16: {  	p0 =	sne.s32 s23, $0x18FC0;
	v1 =	vld [tilespmem:s22+$0x0];
	_ =	sdelay $0x3  }
.Ltmp0:
0x17: {  	(pc) =	sbr.rel @p0 .LBB2_2-.Ltmp0, $4  }
0x18: {  	v0 =	vadd.s32 v1, v0  }
0x19: {  	vm0 =	vgt.s32 v0, $0xF423F;
	v1 =	vadd.s32 $0xFFF0BDC0, v0  }
0x1a: {  	s24 =	sshra.s32 s23, $0x2;
	v1 =	vsel vm0, v1, v0  }
0x1b: {  	s23 =	sadd.s32 $0x40, s23;
	v0 =	vld [tilespmem:s24+$0x6400];
	[tilespmem:s22+$0x0] =	vst v1;
	s22 =	smov.u32 s24  }
0x1c: {  	v1 =	vld [tilespmem:s22+$0x0];
	_ =	sdelay $0x4  }
0x1d: {  	v0 =	vadd.s32 v1, v0  }
0x1e: {  	vm0 =	vgt.s32 v0, $0xF423F;
	v1 =	vadd.s32 $0xFFF0BDC0, v0  }
0x1f: {  	v0 =	vsel vm0, v1, v0  }
0x20: {  	[tilespmem:s22+$0x0] =	vst v0;
	s22 =	simm.s32 $0x0  }
0x21: {  	[tilespmem:s13], [sflag:$0x1] =	stream.indirect.gather [hbm4b:s4+s12], $0x80, s22, s12, $0xb8;
	[tilespmem:$0x1C800] =	vst v63  }
.LBB2_4:
0x22: {  	s23 =	sshll.u32 s22, $0x8  }
0x23: {  	s23 =	sor.u32 $0x80, s23  }
0x24: {  	[tilespmem:s14], [sflag:$0x2] =	stream.indirect.gather [hbm4b:s4+s12], $0x80, s23, s12, $0xb8;
	[tilespmem:$0x1C800] =	vst v63  }
0x25: {  	_ =	swait.ge [sflag:s15], $0x4000  }
0x26: {  	p0 =	seq.s32 s22, $0x0;
	[sflag:s15] =	ssyncset.done $0x0  }
0x27: {  	s24 =	simm.s32 @!p0 $0x3;
	[sflag:s15] =	ssyncadd.s32 $0xFFFFC000  }
0x28: {  	_ =	swait.ge @!p0 [sflag:s24], $0x4000  }
0x29: {  	[sflag:s24] =	ssyncset.done @!p0 $0x0  }
0x2a: {  	s25 =	simm.s32 $0x0;
	[sflag:s24] =	ssyncadd.s32 @!p0 $0xFFFFC000  }
0x2b: {  	v2 =	vld [tilespmem:s25+$0xC830]  }
0x2c: {  	v1 =	vld [tilespmem:s25+$0xC800]  }
0x2d: {  	v0 =	vld [tilespmem:s25+$0xC810]  }
0x2e: {  	s26 =	simm.s32 $0x200;
	s24 =	sshll.u32 s22, $0xA;
	v3 =	vld [tilespmem:s25+$0xC820]  }
.LBB2_5:
0x2f: {  	p1 =	sne.s32 s26, $0xFE00  }
.Ltmp1:
0x30: {  	s28 =	sshra.s32 s26, $0x2;
	s26 =	sadd.s32 $0x200, s26;
	[tilespmem:s25+$0x14830] =	vst v2;
	(pc) =	sbr.rel @p1 .LBB2_5-.Ltmp1, $4  }
0x31: {  	v2 =	vld [tilespmem:s28+$0xC830];
	[tilespmem:s25+$0x14800] =	vst v1  }
0x32: {  	v1 =	vld [tilespmem:s28+$0xC800];
	[tilespmem:s25+$0x14810] =	vst v0  }
0x33: {  	v0 =	vld [tilespmem:s28+$0xC810];
	[tilespmem:s25+$0x14820] =	vst v3;
	s25 =	smov.u32 s28  }
0x34: {  	v3 =	vld [tilespmem:s25+$0xC820]  }
0x35: {  	p1 =	sne.s32 s22, $0x63  }
.Ltmp2:
0x36: {  	s26 =	sshll.u32 s22, $0xF;
	[tilespmem:s25+$0x14830] =	vst v2;
	(pc) =	sbr.rel @p1 .LBB2_8-.Ltmp2, $4  }
0x37: {  	s26 =	sadd.s32 s8, s26;
	[tilespmem:s25+$0x14800] =	vst v1  }
0x38: {  	s26 =	sshrl.u32 s26, $0x3;
	[tilespmem:s25+$0x14810] =	vst v0  }
0x39: {  	s31 =	sadd.s32 s5, s26;
	[tilespmem:s25+$0x14820] =	vst v3  }
0x3a: {  	[hbm4b:s31+s2] =	stream.linear.scatter [tilespmem:s16], [sflag:$0x3], $0x4000, $0x38;
	[tilespmem:$0x1C800] =	vst v63  }
.Ltmp3:
0x3b: {  	(pc) =	sbr.rel .LBB2_9-.Ltmp3, $4  }
0x3c: {  	_ = 	snop  }
0x3d: {  	_ =	swait.ge [sflag:s17], $0x4000  }
0x3e: {  	[sflag:s17] =	ssyncset.done $0x0  }
0x3f: {  	[sflag:s17] =	ssyncadd.s32 $0xFFFFC000  }
.LBB2_8:
0x40: {  	s24 =	sshrl.u32 s24, $0x2  }
.Ltmp4:
0x41: {  	s24 =	sadd.s32 $0x100, s24;
	(pc) =	sbr.rel @p0 .LBB2_10-.Ltmp4, $4  }
0x42: {  	[tilespmem:s13], [sflag:$0x1] =	stream.indirect.gather [hbm4b:s4+s12], $0x80, s24, s12, $0xb8;
	[tilespmem:$0x1C800] =	vst v63  }
0x43: {  	_ =	swait.ge [sflag:s17], $0x4000  }
0x44: {  	[sflag:s17] =	ssyncset.done $0x0  }
0x45: {  	[sflag:s17] =	ssyncadd.s32 $0xFFFFC000  }
.LBB2_9:
0x46: {  	_ =	swait.ge [sflag:s18], $0x4000  }
0x47: {  	[sflag:s18] =	ssyncset.done $0x0  }
0x48: {  	[sflag:s18] =	ssyncadd.s32 $0xFFFFC000  }
.LBB2_10:
0x49: {  	s24 =	simm.s32 $0x0  }
0x4a: {  	v1 =	vld [tilespmem:s24+$0x10830]  }
0x4b: {  	v2 =	vld [tilespmem:s24+$0x10800]  }
0x4c: {  	v0 =	vld [tilespmem:s24+$0x10810]  }
0x4d: {  	s25 =	simm.s32 $0x200;
	v3 =	vld [tilespmem:s24+$0x10820]  }
.LBB2_11:
0x4e: {  	p0 =	sne.s32 s25, $0xFE00  }
.Ltmp5:
0x4f: {  	s26 =	sshra.s32 s25, $0x2;
	s25 =	sadd.s32 $0x200, s25;
	[tilespmem:s24+$0x18830] =	vst v1;
	(pc) =	sbr.rel @p0 .LBB2_11-.Ltmp5, $4  }
0x50: {  	v1 =	vld [tilespmem:s26+$0x10830];
	[tilespmem:s24+$0x18800] =	vst v2  }
0x51: {  	v2 =	vld [tilespmem:s26+$0x10800];
	[tilespmem:s24+$0x18810] =	vst v0  }
0x52: {  	v0 =	vld [tilespmem:s26+$0x10810];
	[tilespmem:s24+$0x18820] =	vst v3;
	s24 =	smov.u32 s26  }
0x53: {  	v3 =	vld [tilespmem:s24+$0x10820]  }
0x54: {  	s22 =	sadd.s32 $0x1, s22  }
0x55: {  	p0 =	sne.s32 s22, $0x64  }
.Ltmp6:
0x56: {  	[tilespmem:s24+$0x18830] =	vst v1;
	(pc) =	sbr.rel @p0 .LBB2_4-.Ltmp6, $4  }
0x57: {  	s23 =	sadd.s32 s3, s23;
	[tilespmem:s24+$0x18800] =	vst v2  }
0x58: {  	s23 =	sshll.u32 s23, $0x4;
	[tilespmem:s24+$0x18810] =	vst v0  }
0x59: {  	s23 =	sadd.s32 s5, s23;
	[tilespmem:s24+$0x18820] =	vst v3  }
0x5a: {  	[hbm4b:s23+s2] =	stream.linear.scatter [tilespmem:s19], [sflag:$0x4], $0x4000, $0x38;
	[tilespmem:$0x1C800] =	vst v63  }
0x5b: {  	s21 =	sadd.s32 $0x1, s21  }
0x5c: {  	_ =	swait.ge [sflag:s20], $0x4000;
	p0 =	sne.s32 s21, s9  }
.Ltmp7:
0x5d: {  	[sflag:s20] =	ssyncset.done $0x0;
	(pc) =	sbr.rel @p0 .LBB2_1-.Ltmp7, $4  }
0x5e: {  	[sflag:s20] =	ssyncadd.s32 $0xFFFFC000  }
0x5f: {  	_ =	swait.ge [sflag:s18], $0x4000  }
0x60: {  	[sflag:s18] =	ssyncset.done $0x0  }
0x61: {  	[sflag:s18] =	ssyncadd.s32 $0xFFFFC000  }
0x62: {  	_ =	sfence.sel $0x180000  }
0x63: {  	[bflag:$0x0] =	sbarrier.arrive $0xFFFF  }
0x64: {  	p0 =	sne.s32 s0, $0x0;
	_ =	strace $0x90000047  }
0x65: {  	s0 =	sadd.s32 @!p0 $0x100000, s1;
	[bflag:$0x2] =	sbarrier.arrive $0xFFFF  }
0x66: {  	[sflag:s0] =	ssyncadd.tile.s32 @!p0 $0x1;
	_ =	shalt  }
.Lfunc_end2:
_tile_overlayer_lowered:
.L_overlay_start_2:
0x67: {  	(tag) =	ssettag $0x2  }
0x68: {  	s0 =	rddreg [dreg:$0x0];
	s2 =	stileid.u32  }
0x69: {  	s1 =	rddreg [dreg:$0x1];
	p0 =	sne.s32 s2, $0x0  }
0x6a: {  	s3 =	rddreg [dreg:$0x2];
	[bflag:$0x3] =	sbarrier.arrive $0xFFFF;
	s2 =	simm.s32 @!p0 $0x1C05  }
0x6b: {  	[timem:s3], [sflag:s2] =	dma.local @!p0 [hbm:s0], s1  }
0x6c: {  	s0 =	simm.s32 @!p0 $0x5  }
0x6d: {  	_ =	swait.ge @!p0 [sflag:s0], s1  }
0x6e: {  	s1 =	ssub.s32 @!p0 $0x0, s1;
	[sflag:s0] =	ssyncset.done @!p0 $0x0  }
0x6f: {  	[sflag:s0] =	ssyncadd.s32 @!p0 s1  }
0x70: {  	[bflag:$0x3] =	sbarrier.arrive $0xFFFF  }
0x71: {  	_ =	shalt  }

// kernel: sparse-core-data-format-call.cloned.1.call-start
scs
called_computation_lowered:
.L_overlay_start_0:
0x0: {  	s2 =	sld [smem:$0x3FD9]  }
0x1: {  	s3 =	sld [smem:$0x3FFE];
	_ =	sdelay $0x1  }
0x2: {  	s1 =	srdreg.scid  }
0x3: {  	s0 =	sand.u32 $0x1, s1  }
0x4: {  	s15 =	sshll.u32 s0, $0xA;
	s2 =	sadd.s32 s3, s2  }
0x5: {  	s2 =	sadd.s32 s2, s15  }
0x6: {  	[smem:$0x3FC6] =	sst s2  }
0x7: {  	_ = 	snop  }
0x8: {  	s2 =	sld [smem:$0x3FD0];
	_ =	sdelay $0x2  }
0x9: {  	s16 =	simm.s32 $0xA;
	s4 =	simm.s32 $0x10  }
0xa: {  	[smem:s4], [sflag:s16] =	dma.local [hbm:s2], $0x1  }
0xb: {  	_ =	swait.eq [sflag:s16], $0x1  }
0xc: {  	[sflag:s16] =	ssyncset.done $0x0  }
0xd: {  	[sflag:s16] =	ssyncadd.s32 $0xFFFFFFFF  }
0xe: {  	s17 =	sld [smem:$0x10];
	(tm) =	ssettm $0x1  }
0xf: {  	s18 =	sld [smem:$0x3FFB];
	_ =	sdelay $0x3  }
0x10: {  	_ =	strace s18  }
0x11: {  	s3 =	sld [smem:$0x3FFC];
	_ =	sdelay $0x3  }
0x12: {  	_ =	strace s3  }
0x13: {  	s3 =	sld [smem:$0x3FFD];
	_ =	sdelay $0x3  }
0x14: {  	_ =	strace s3  }
0x15: {  	_ =	strace $0x8FFFFFFF  }
0x16: {  	s19 =	sld [smem:$0x3FDB];
	_ =	sdelay $0x1  }
0x17: {  	s20 =	simm.s32 $_scs_section_size  }
0x18: {  	s5 =	simm.s32 $_size__tile_overlayer_lowered;
	s6 =	simm.s32 $_tile_overlayer_lowered  }
0x19: {  	s23 =	simm.s32 $0x1BFF;
	s22 =	sshll.u32 s6, $0x1;
	s3 =	sadd.s32 s20, s19  }
0x1a: {  	s7 =	simm.s32 $0x0;
	s21 =	sshll.u32 s5, $0x1;
	s5 =	sadd.s32 s22, s3  }
0x1b: {  	[timem:s7], [sflag:s23] =	dma.local [hbm:s5], s21  }
0x1c: {  	_ =	swait.ge [sflag:s23], s21  }
0x1d: {  	s4 =	ssub.s32 $0x0, s21;
	[sflag:s23] =	ssyncset.done $0x0  }
0x1e: {  	[sflag:s23] =	ssyncadd.s32 s4;
	_ =	sdelay $0x1  }
0x1f: {  	s24 =	simm.s32 $0x1B8B  }
0x20: {  	_ =	swait.ge [sflag:s24], $0x1  }
0x21: {  	[sflag:s24] =	ssyncset.done $0x0  }
0x22: {  	s26 =	simm.s32 $0x1B8E;
	s25 =	sld [smem:$0x3FFE];
	[sflag:s24] =	ssyncadd.s32 $0xFFFFFFFF  }
0x23: {  	s27 =	simm.s32 $execute0_lowered;
	[smem:$0x3FD2] =	sst s26  }
0x24: {  	s5 =	sshll.u32 s27, $0x1;
	_ =	strace $0x80000049;
	[dreg:$0x1] =	wrdreg $0xFFFFFFFF  }
0x25: {  	s28 =	simm.s32 $_size_execute0_lowered;
	s3 =	sadd.s32 s3, s5;
	[dreg:$0x0] =	wrdreg $0x0  }
0x26: {  	s5 =	sshll.u32 s28, $0x1;
	[dreg:$0x2] =	wrdreg s3  }
0x27: {  	[dreg:$0x3] =	wrdreg s5  }
0x28: {  	[dreg:$0x4] =	wrdreg $0xC0  }
0x29: {  	_ =	task [dreg:s7], $0x5FFFF  }
0x2a: {  	[dreg:$0x1] =	wrdreg $0xFFFFFFFF  }
0x2b: {  	[dreg:$0x0] =	wrdreg $0x60  }
0x2c: {  	[dreg:$0x2] =	wrdreg s25  }
0x2d: {  	[dreg:$0x3] =	wrdreg s17  }
0x2e: {  	[dreg:$0x4] =	wrdreg $0x9  }
0x2f: {  	_ =	task.clear_ibuf [dreg:s7], $0x5FFFF;
	_ =	strace $0x90000049  }
0x30: {  	s29 =	simm.s32 $0x9;
	_ =	strace $0x8000004B  }
0x31: {  	_ =	swait.ge [sflag:s29], $0x1  }
0x32: {  	[sflag:s29] =	ssyncadd.s32 $0xFFFFFFFF  }
0x33: {  	_ =	strace $0x9000004B  }
0x34: {  	_ =	sfence  }
0x35: {  	s30 =	sld [smem:$0x0];
	_ =	sdelay $0x2  }
0x36: {  	s31 =	sshll.u32 s1, $0xD;
	s1 =	sshrl.u32 s1, $0x2  }
0x37: {  	s3 =	sand.u32 $0x4000, s31;
	s1 =	sadd.s32 s1, s30  }
0x38: {  	s0 =	sor.u32 s3, s0;
	s1 =	sshll.u32 s1, $0x11  }
0x39: {  	s0 =	sor.u32 s1, s0  }
0x3a: {  	s0 =	sadd.s32 $0x8F2B, s0  }
0x3b: {  	[sflag:s0] =	ssyncadd.remote.s32 $0x1  }
0x3c: {  	_ =	sfence.sel $0xFFFF  }
0x3d: {  	[dreg:$0x0] =	wrdreg $0xFFFFFFFF;
	(pc) =	sbr.abs _section_cstart, $3  }
0x3e: {  	[dreg:$0x1] =	wrdreg $0xFFFFFFFF  }
0x3f: {  	_ =	task.clear_ibuf [dreg:s7], $0x2FFFF;
	_ =	strace $0x9FFFFFFF  }
0x40: {  	(tm) =	ssettm $0x7FFFFFFF  }
0x41: {  	_ =	shalt  }
tec
execute0_lowered:
.L_overlay_start_1:
0x0: {  	(tag) =	ssettag $0x1  }
0x1: {  	s0 =	srdreg.scid  }
0x2: {  	s1 =	sshll.u32 s0, $0x4  }
0x3: {  	s0 =	stileid.u32;
	s1 =	sand.u32 $0x10, s1  }
0x4: {  	s1 =	sor.u32 s0, s1  }
0x5: {  	s6 =	rddreg [dreg:$0x0];
	s4 =	simm.s32 $0x1;
	s2 =	sshll.u32 s1, $0x7  }
0x6: {  	s7 =	simm.s32 $0x2;
	s12 =	simm.s32 $0x0;
	s1 =	ssub.s32 $0x1000, s2  }
0x7: {  	s8 =	simm.s32 $0x8000;
	s13 =	simm.s32 $0x0;
	s3 =	sand.u32 $0xF80, s1  }
0x8: {  	s9 =	simm.s32 $0x0;
	s5 =	sshrl.u32 s1, $0xC;
	p0 =	sne.s32 s3, $0x0  }
.Ltmp0:
0x9: {  	s1 =	rddreg [dreg:$0x2];
	s4 =	simm.s32 @!p0 $0x0;
	(pc) =	sbr.rel .LBB1_1-.Ltmp0, $4  }
0xa: {  	s11 =	simm.s32 $0x0;
	s3 =	rddreg [dreg:$0x1];
	s5 =	sadd.s32 s4, s5  }
0xb: {  	_ =	strace $0x8000004A;
	s4 =	simm.s32 $0x1;
	s5 =	smul.u32 $0xC8, s5  }
0xc: {  	s6 =	sadd.s32 $0x1400, s6;
	s10 =	smov.u32 s2;
	[sflag:s4] =	ssyncpa.u1 $0x0  }
0xd: {  	p0 =	por $0x0, $0x0;
	[sflag:s7] =	ssyncpa.u1 $0x0;
	s7 =	sor.u32 $0x1, s5  }
.LBB1_4:
0xe: {  	s16 =	sshll.u32 s13, $0x3;
	s17 =	sand.u32 $0x78, s13  }
0xf: {  	s30 =	sand.u32 $0x7E00, s13;
	s12 =	sshll.u32 s12, $0xF;
	s16 =	sand.u32 $0xC00, s16  }
0x10: {  	[tilespmem:s15+$0x810 ss:$0x81] =	vst.msk $0xffff, v2;
	s31 =	sand.u32 $0x7, s13;
	s16 =	sor.u32 s17, s16;
	s17 =	sadd.s32 s3, s30  }
0x11: {  	[tilespmem:s15+$0x1020 ss:$0x81] =	vst.msk $0xffff, v0;
	s13 =	sshll.u32 s31, $0x12;
	s12 =	sadd.s32 s12, s17;
	s16 =	sshrl.u32 s16, $0x3  }
0x12: {  	[tilespmem:s15+$0x0 ss:$0x81] =	vst.msk $0xffff, v1;
	s13 =	sor.u32 $0x400, s13;
	s12 =	sadd.s32 s16, s12  }
0x13: {  	[hbm4b:s12+s13] =	stream.strided.scatter [tilespmem:s14], [sflag:$0x2], $0x2000, s8, s13, $0x20;
	[tilespmem:$0x8080] =	vst v63  }
.LBB1_5:
0x14: {  	s14 =	sadd.s32 $0x1, s9  }
0x15: {  	s12 =	sadd.s32 $0x1000, s10;
	s16 =	smov.u32 s10;
	p2 =	sgt.s32 s14, $0xC7  }
0x16: {  	s16 =	smov.u32 @p2 s12  }
0x17: {  	s14 =	simm.s32 @p2 $0x0;
	p2 =	sgt.s32 s16, $0xFFF  }
0x18: {  	s16 =	smov.u32 @p2 s2;
	p2 =	sne.s32 s11, s7  }
.Ltmp1:
0x19: {  	p1 =	slt.u32 s11, $0x2;
	(pc) =	sbr.rel @!p2 .LBB1_6-.Ltmp1, $4  }
0x1a: {  	s15 =	simm.s32 @!p1 $0x2  }
0x1b: {  	s13 =	smov.u32 s10;
	p0 =	por !p0, !p0;
	_ =	swait.ge @!p1 [sflag:s15], $0x2000  }
0x1c: {  	s12 =	smov.u32 s9;
	[sflag:s15] =	ssyncset.done @!p1 $0x0;
	s9 =	smov.u32 s14  }
0x1d: {  	s11 =	sadd.s32 $0x1, s11;
	[sflag:s15] =	ssyncadd.s32 @!p1 $0xFFFFE000;
	s10 =	smov.u32 s16  }
.LBB1_1:
0x1e: {  	p1 =	sge.u32 s11, s5  }
0x1f: {  	s14 =	sand.u32 @!p1 $0x1FFFFFF, s9  }
0x20: {  	s15 =	smulhi.u32 @!p1 $0x147AE15, s14;
	_ =	sdelay $0x1  }
0x21: {  	s15 =	smul.u32 @!p1 $0xC8, s15  }
0x22: {  	s16 =	sxor.u32 @!p1 $0xFFFFFFFF, s11;
	s17 =	smul.u32 @!p1 $0xC80, s10  }
0x23: {  	s31 =	sadd.s32 $0xFFFFFFFF, s11;
	s16 =	sshll.u32 @!p1 s16, $0xD;
	s14 =	ssub.s32 @!p1 s14, s15  }
0x24: {  	s15 =	sand.u32 @!p1 $0x2000, s16;
	s16 =	sadd.s32 @!p1 s6, s17;
	s14 =	sshll.u32 @!p1 s14, $0x4  }
0x25: {  	s17 =	simm.s32 @!p1 $0x6400;
	s14 =	sadd.s32 @!p1 s14, s16;
	s16 =	simm.s32 @!p1 $0x40  }
0x26: {  	[tilespmem:s15], [sflag:$0x1] =	stream.strided.gather @!p1 [hbm4b:s14+s16], $0x2000, s17, s16, $0x38;
	[tilespmem:$0x8080] =	vst v63  }
0x27: {  	p1 =	sge.u32 s31, s5  }
.Ltmp2:
0x28: {  	_ = 	snop;
	(pc) =	sbr.rel @p1 .LBB1_5-.Ltmp2, $1  }
0x29: {  	_ =	sdelay $0x3  }
0x2a: {  	s14 =	simm.s32 $0x1  }
0x2b: {  	_ =	swait.ge [sflag:s4], $0x2000;
	s14 =	simm.s32 @!p0 $0x0  }
0x2c: {  	[sflag:s4] =	ssyncset.done $0x0;
	s15 =	sshll.u32 s14, $0xD  }
0x2d: {  	[sflag:s4] =	ssyncadd.s32 $0xFFFFE000;
	s18 =	sor.u32 $0x20, s15  }
0x2e: {  	s14 =	smul.u32 $0x8100, s14;
	v3 =	vld [tilespmem:s18+$0x10]  }
0x2f: {  	s30 =	sand.u32 $0x1, s11;
	v2 =	vld [tilespmem:s18+$0xFFFFFFF0]  }
0x30: {  	s15 =	smul.u32 $0x8100, s30;
	s14 =	sshrl.u32 s14, $0x2;
	v0 =	vld [tilespmem:s18+$0x0]  }
0x31: {  	v1 =	vld [tilespmem:s18+$0xFFFFFFE0];
	s16 =	sor.u32 $0x4000, s14  }
0x32: {  	s31 =	sshrl.u32 s15, $0x2;
	s15 =	sadd.s32 $0x0, s16  }
0x33: {  	s17 =	simm.s32 $0x4;
	s18 =	sadd.s32 $0x40, s18;
	s14 =	sor.u32 $0x4000, s31;
	[tilespmem:s15+$0x1830 ss:$0x81] =	vst.msk $0xffff, v3  }
.LBB1_3:
0x34: {  	v3 =	vld [tilespmem:s18+$0x10];
	p1 =	sne.s32 s17, $0x1FC;
	[tilespmem:s15+$0x810 ss:$0x81] =	vst.msk $0xffff, v2;
	s19 =	smov.u32 s17;
	s17 =	sadd.s32 $0x4, s17  }
.Ltmp3:
0x35: {  	v2 =	vld [tilespmem:s18+$0xFFFFFFF0];
	[tilespmem:s15+$0x1020 ss:$0x81] =	vst.msk $0xffff, v0;
	(pc) =	sbr.rel @p1 .LBB1_3-.Ltmp3, $4  }
0x36: {  	v0 =	vld [tilespmem:s18+$0x0];
	[tilespmem:s15+$0x0 ss:$0x81] =	vst.msk $0xffff, v1  }
0x37: {  	s15 =	sshra.s32 s19, $0x2;
	v1 =	vld [tilespmem:s18+$0xFFFFFFE0]  }
0x38: {  	s15 =	sadd.s32 s15, s16  }
0x39: {  	s18 =	sadd.s32 $0x40, s18;
	[tilespmem:s15+$0x1830 ss:$0x81] =	vst.msk $0xffff, v3  }
.Ltmp4:
0x3a: {  	_ = 	snop;
	(pc) =	sbr.rel .LBB1_4-.Ltmp4, $1  }
0x3b: {  	_ =	sdelay $0x3  }
.LBB1_6:
0x3c: {  	_ =	sfence.sel $0x180000  }
0x3d: {  	s2 =	simm.s32 $0x1;
	[bflag:$0x0] =	sbarrier.arrive $0xFFFF  }
0x3e: {  	s31 =	simm.s32 $0x2;
	[sflag:s2] =	ssyncpa.u1 $0x1  }
0x3f: {  	[sflag:s31] =	ssyncpa.u1 $0x1  }
0x40: {  	p0 =	sne.s32 s0, $0x0;
	_ =	strace $0x9000004A  }
0x41: {  	s0 =	sadd.s32 @!p0 $0x100000, s1;
	[bflag:$0x2] =	sbarrier.arrive $0xFFFF  }
0x42: {  	[sflag:s0] =	ssyncadd.tile.s32 @!p0 $0x1;
	_ =	shalt  }
.Lfunc_end1:
_tile_overlayer_lowered:
.L_overlay_start_2:
0x43: {  	(tag) =	ssettag $0x2  }
0x44: {  	s0 =	rddreg [dreg:$0x0];
	s2 =	stileid.u32  }
0x45: {  	s1 =	rddreg [dreg:$0x1];
	p0 =	sne.s32 s2, $0x0  }
0x46: {  	s3 =	rddreg [dreg:$0x2];
	[bflag:$0x3] =	sbarrier.arrive $0xFFFF;
	s2 =	simm.s32 @!p0 $0x1C01  }
0x47: {  	[timem:s3], [sflag:s2] =	dma.local @!p0 [hbm:s0], s1  }
0x48: {  	s0 =	simm.s32 @!p0 $0x1  }
0x49: {  	_ =	swait.ge @!p0 [sflag:s0], s1  }
0x4a: {  	s1 =	ssub.s32 @!p0 $0x0, s1;
	[sflag:s0] =	ssyncset.done @!p0 $0x0  }
0x4b: {  	[sflag:s0] =	ssyncadd.s32 @!p0 s1  }
0x4c: {  	[bflag:$0x3] =	sbarrier.arrive $0xFFFF  }
0x4d: {  	_ =	shalt  }

</sc_bundles>
